<compile_context>
chip_gen: v7x
topology: tpu7x:2x2x1
jax: 0.10.2.dev20260603
libtpu: 0.0.44.dev20260713+nightly
codegen_flags: <defaults>
</compile_context>

<pallas_src>
import functools

import jax
import jax.numpy as jnp
from jax import lax
from jax.experimental import pallas as pl
from jax.experimental.pallas import tpu as pltpu
from jax.experimental.pallas import tpu_sc as plsc

NUM_GENRE_PERIOD = 24
NUM_GENRES = 1000
EMBED_SIZE = 128
BATCH = 16384
G = 50
TABLE_ROWS = NUM_GENRE_PERIOD * NUM_GENRES

NUM_WORKERS = 32
BPW = BATCH // NUM_WORKERS
LANES = 16
GROUPS = BPW // LANES
G_UNROLL = 10

N_BLOCKS = 2
ROW_BLOCK = TABLE_ROWS // N_BLOCKS


def _project_kernel(tab_ref, w_ref, b_ref, v_ref):
    b = b_ref[0, 0]
    s = jnp.sum(tab_ref[:, :] * w_ref[:, :], axis=1, keepdims=True)
    row = (lax.broadcasted_iota(jnp.int32, (ROW_BLOCK, 1), 0)
           + pl.program_id(0) * ROW_BLOCK)
    v_ref[:, :] = jnp.where(row < NUM_GENRE_PERIOD, 0.0, s) + b


def _project_table(embed_table, fc_w, fc_b):
    return pl.pallas_call(
        _project_kernel,
        grid=(N_BLOCKS,),
        in_specs=[
            pl.BlockSpec((ROW_BLOCK, EMBED_SIZE), lambda i: (i, 0)),
            pl.BlockSpec((1, EMBED_SIZE), lambda i: (0, 0)),
            pl.BlockSpec((1, 1), lambda i: (0, 0)),
        ],
        out_specs=pl.BlockSpec((ROW_BLOCK, 1), lambda i: (i, 0)),
        out_shape=jax.ShapeDtypeStruct((TABLE_ROWS, 1), jnp.float32),
    )(embed_table, fc_w, fc_b)


@functools.partial(
    pl.kernel,
    mesh=plsc.VectorSubcoreMesh(core_axis_name="c", subcore_axis_name="s"),
    out_type=jax.ShapeDtypeStruct((BATCH,), jnp.float32),
    compiler_params=pltpu.CompilerParams(needs_layout_passes=False),
    scratch_types=[
        pltpu.VMEM((TABLE_ROWS,), jnp.float32),
        pltpu.VMEM_SHARED((TABLE_ROWS,), jnp.float32),
        pltpu.VMEM((G, BPW), jnp.int32),
        pltpu.VMEM((BPW,), jnp.int32),
        pltpu.VMEM((BPW,), jnp.float32),
        pltpu.SemaphoreType.DMA,
        pltpu.SemaphoreType.DMA,
        pltpu.SemaphoreType.DMA,
    ],
)
def _sc_pool(v_hbm, ig_hbm, t_hbm, out_hbm, v_v, v_sh, ig_v, t_v, o_v,
             sem_v, sem_ig, sem_t):
    sid = lax.axis_index("s")
    wid = sid * 2 + lax.axis_index("c")
    base = wid * BPW
    cp_ig = pltpu.async_copy(ig_hbm.at[wid], ig_v, sem_ig)
    cp_t = pltpu.async_copy(t_hbm.at[pl.ds(base, BPW)], t_v, sem_t)

    @pl.when(sid == 0)
    def _():
        pltpu.sync_copy(v_hbm, v_sh)

    plsc.subcore_barrier()
    cp_v = pltpu.async_copy(v_sh, v_v, sem_v)
    cp_t.wait()
    cp_ig.wait()
    cp_v.wait()
    inv_g = jnp.full((LANES,), 1.0 / G, dtype=jnp.float32)
    zero = jnp.zeros((LANES,), dtype=jnp.float32)

    def group(j, carry):
        tmod = lax.rem(t_v[pl.ds(j * LANES, LANES)],
                       jnp.full((LANES,), NUM_GENRE_PERIOD, dtype=jnp.int32))

        def genre_chunk(c, acc):
            for k in range(G_UNROLL):
                genre = ig_v[c * G_UNROLL + k, pl.ds(j * LANES, LANES)]
                jid = genre * NUM_GENRE_PERIOD + tmod
                acc = acc + plsc.load_gather(v_v, [jid])
            return acc

        acc = lax.fori_loop(0, G // G_UNROLL, genre_chunk,
                            jnp.zeros((LANES,), dtype=jnp.float32))
        o_v[pl.ds(j * LANES, LANES)] = jnp.maximum(acc * inv_g, zero)
        return carry

    lax.fori_loop(0, GROUPS, group, 0)
    pltpu.sync_copy(o_v, out_hbm.at[pl.ds(base, BPW)])


def kernel(time, item_genre, embed_table, fc_w, fc_b):
    v = _project_table(embed_table, fc_w,
                       fc_b.reshape(1, 1).astype(jnp.float32)
                       ).reshape(TABLE_ROWS)
    ig = (item_genre.astype(jnp.int32)
          .reshape(NUM_WORKERS, BPW, G)
          .transpose(0, 2, 1))
    t = time.astype(jnp.int32)
    out = _sc_pool(v, ig, t)
    return out.reshape(BATCH, 1)

# --- scband reference (transcript-rebuilt; emitter-appended) ---
"""Pipeline reference for scband-module-periodic-80487687127451 (READ-ONLY COPY).

The authoritative reference and input builder live on the scoring server;
editing this copy changes nothing except your own understanding.
"""

import jax, jax.numpy as jnp
import numpy as np

NUM_GENRE_PERIOD = 24
NUM_GENRES = 1000
EMBED_SIZE = 128
BATCH = 16384
G = 50


def setup_inputs(seed: int = 0) -> dict:
    key = jax.random.key(seed)
    k1, k2, k3, k4, k5 = jax.random.split(key, 5)
    time = jax.random.randint(k1, (BATCH,), 0, 100000)
    item_genre = jax.random.randint(k2, (BATCH, G), 0, NUM_GENRES)
    embed_table = jax.random.normal(k3, (NUM_GENRE_PERIOD * NUM_GENRES, EMBED_SIZE), dtype=jnp.float32) * 0.02
    fc_w = jax.random.normal(k4, (1, EMBED_SIZE), dtype=jnp.float32) * (1.0 / np.sqrt(EMBED_SIZE))
    fc_b = jnp.zeros((1,), dtype=jnp.float32)
    return {"time": time, "item_genre": item_genre, "embed_table": embed_table, "fc_w": fc_w, "fc_b": fc_b}


def reference(time, item_genre, embed_table, fc_w, fc_b):
    # padding_idx=0: force row 0 to zero
    table = embed_table.at[0].set(0.0)
    period_time = time % NUM_GENRE_PERIOD
    period_time = jnp.broadcast_to(period_time[:, None], item_genre.shape)
    period_time_pad = jnp.minimum(item_genre, 1)  # torch.clamp(item_genre, max=1)
    joint_id = (item_genre * NUM_GENRE_PERIOD + period_time) * period_time_pad
    joint_embed = jnp.take(table, joint_id, axis=0)  # [B, G, D]
    joint_embed = joint_embed.mean(axis=1)  # [B, D]
    output = jax.nn.relu(joint_embed @ fc_w.T + fc_b)  # [B, 1]
    return output

if __name__ == "__main__":
    import jax
    _d = setup_inputs()
    print(jax.jit(kernel)(*tuple(_d.values())))

</pallas_src>

<mosaic_0001>
#map = affine_map<(d0, d1) -> (0)>
#map1 = affine_map<(d0, d1) -> (0, 0, 0)>
module attributes {stable_mosaic.version = 14 : i64} {
  func.func @_sc_pool(%arg0: i32, %arg1: i32, %arg2: memref<24000xf32, #tpu.memory_space<hbm>>, %arg3: memref<32x50x512xi32, #tpu.memory_space<hbm>>, %arg4: memref<16384xi32, #tpu.memory_space<hbm>>, %arg5: memref<16384xf32, #tpu.memory_space<hbm>>, %arg6: memref<24000xf32, #tpu.memory_space<vmem>>, %arg7: memref<24000xf32, #tpu.memory_space<vmem_shared>>, %arg8: memref<50x512xi32, #tpu.memory_space<vmem>>, %arg9: memref<512xi32, #tpu.memory_space<vmem>>, %arg10: memref<512xf32, #tpu.memory_space<vmem>>, %arg11: memref<!tpu.dma_semaphore, #tpu.memory_space<semaphore_mem>>, %arg12: memref<!tpu.dma_semaphore, #tpu.memory_space<semaphore_mem>>, %arg13: memref<!tpu.dma_semaphore, #tpu.memory_space<semaphore_mem>>) attributes {dimension_semantics = [#tpu.dimension_semantics<core_parallel>, #tpu.dimension_semantics<subcore_parallel>], iteration_bounds = array<i64: 2, 16>, scalar_prefetch = 0 : i64, scratch_operands = 8 : i64, tpu.core_type = #tpu.core_type<sc_vector_subcore>, window_params = [{transform_indices = #map}, {transform_indices = #map1}, {transform_indices = #map}, {transform_indices = #map}]} {
    %mul3A = arith.constant 2 : i32
    %mul3A_0 = arith.muli %arg1, %mul3A : i32
    %add3A = arith.addi %mul3A_0, %arg0 : i32
    %mul3A_1 = arith.constant 512 : i32
    %mul3A_2 = arith.muli %add3A, %mul3A_1 : i32
    %dma_start3A = arith.constant 0 : i32
    %dma_start3A_3 = arith.constant 0 : i32
    %dma_start3A_4 = tpu.memref_slice %arg3[%add3A, %dma_start3A, %dma_start3A_3] : memref<32x50x512xi32, #tpu.memory_space<hbm>> -> memref<1x50x512xi32, #tpu.memory_space<hbm>>
    %dma_start3A_5 = tpu.memref_squeeze %dma_start3A_4 : memref<1x50x512xi32, #tpu.memory_space<hbm>> -> memref<50x512xi32, #tpu.memory_space<hbm>>
    %dma_start3A_6 = arith.constant 0 : i32
    %dma_start3A_7 = arith.constant 0 : i32
    %dma_start3A_8 = tpu.memref_slice %arg3[%add3A, %dma_start3A_6, %dma_start3A_7] : memref<32x50x512xi32, #tpu.memory_space<hbm>> -> memref<1x50x512xi32, #tpu.memory_space<hbm>>
    %dma_start3A_9 = tpu.memref_squeeze %dma_start3A_8 : memref<1x50x512xi32, #tpu.memory_space<hbm>> -> memref<50x512xi32, #tpu.memory_space<hbm>>
    tpu.enqueue_dma source(%dma_start3A_9 : memref<50x512xi32, #tpu.memory_space<hbm>>) target(%arg8 : memref<50x512xi32, #tpu.memory_space<vmem>>) target_semaphore(%arg12 : memref<!tpu.dma_semaphore, #tpu.memory_space<semaphore_mem>>)
    %dma_start3A_10 = tpu.memref_slice %arg4[%mul3A_2] : memref<16384xi32, #tpu.memory_space<hbm>> -> memref<512xi32, #tpu.memory_space<hbm>>
    %dma_start3A_11 = tpu.memref_slice %arg4[%mul3A_2] : memref<16384xi32, #tpu.memory_space<hbm>> -> memref<512xi32, #tpu.memory_space<hbm>>
    tpu.enqueue_dma source(%dma_start3A_11 : memref<512xi32, #tpu.memory_space<hbm>>) target(%arg9 : memref<512xi32, #tpu.memory_space<vmem>>) target_semaphore(%arg13 : memref<!tpu.dma_semaphore, #tpu.memory_space<semaphore_mem>>)
    %eq3A = arith.constant 0 : i32
    %eq3A_12 = arith.cmpi eq, %arg1, %eq3A : i32
    %convert_element_type3A = arith.extui %eq3A_12 : i1 to i32
    %cond3A = arith.constant 0 : i32
    %cond3A_13 = arith.cmpi ne, %convert_element_type3A, %cond3A : i32
    scf.if %cond3A_13 {
      "tpu.region"() ({
        %run_scoped3A = tpu.sem_alloc : memref<!tpu.dma_semaphore, #tpu.memory_space<semaphore_mem>>
        tpu.enqueue_dma source(%arg2 : memref<24000xf32, #tpu.memory_space<hbm>>) target(%arg7 : memref<24000xf32, #tpu.memory_space<vmem_shared>>) target_semaphore(%run_scoped3A : memref<!tpu.dma_semaphore, #tpu.memory_space<semaphore_mem>>)
        tpu.wait_dma2 semaphore(%run_scoped3A : memref<!tpu.dma_semaphore, #tpu.memory_space<semaphore_mem>>) src(%arg2 : memref<24000xf32, #tpu.memory_space<hbm>>) dst(%arg7 : memref<24000xf32, #tpu.memory_space<vmem_shared>>)
        tpu.yield
      }) : () -> ()
    } else {
    }
    %barrier3A = arith.constant 0 : index
    tpu.barrier barrier_id(%barrier3A)
    tpu.enqueue_dma source(%arg7 : memref<24000xf32, #tpu.memory_space<vmem_shared>>) target(%arg6 : memref<24000xf32, #tpu.memory_space<vmem>>) target_semaphore(%arg11 : memref<!tpu.dma_semaphore, #tpu.memory_space<semaphore_mem>>)
    %dma_wait3A = tpu.memref_slice %arg4[%mul3A_2] : memref<16384xi32, #tpu.memory_space<hbm>> -> memref<512xi32, #tpu.memory_space<hbm>>
    %dma_wait3A_14 = tpu.memref_slice %arg4[%mul3A_2] : memref<16384xi32, #tpu.memory_space<hbm>> -> memref<512xi32, #tpu.memory_space<hbm>>
    tpu.wait_dma2 semaphore(%arg13 : memref<!tpu.dma_semaphore, #tpu.memory_space<semaphore_mem>>) src(%dma_wait3A_14 : memref<512xi32, #tpu.memory_space<hbm>>) dst(%arg9 : memref<512xi32, #tpu.memory_space<vmem>>)
    %dma_wait3A_15 = arith.constant 0 : i32
    %dma_wait3A_16 = arith.constant 0 : i32
    %dma_wait3A_17 = tpu.memref_slice %arg3[%add3A, %dma_wait3A_15, %dma_wait3A_16] : memref<32x50x512xi32, #tpu.memory_space<hbm>> -> memref<1x50x512xi32, #tpu.memory_space<hbm>>
    %dma_wait3A_18 = tpu.memref_squeeze %dma_wait3A_17 : memref<1x50x512xi32, #tpu.memory_space<hbm>> -> memref<50x512xi32, #tpu.memory_space<hbm>>
    %dma_wait3A_19 = arith.constant 0 : i32
    %dma_wait3A_20 = arith.constant 0 : i32
    %dma_wait3A_21 = tpu.memref_slice %arg3[%add3A, %dma_wait3A_19, %dma_wait3A_20] : memref<32x50x512xi32, #tpu.memory_space<hbm>> -> memref<1x50x512xi32, #tpu.memory_space<hbm>>
    %dma_wait3A_22 = tpu.memref_squeeze %dma_wait3A_21 : memref<1x50x512xi32, #tpu.memory_space<hbm>> -> memref<50x512xi32, #tpu.memory_space<hbm>>
    tpu.wait_dma2 semaphore(%arg12 : memref<!tpu.dma_semaphore, #tpu.memory_space<semaphore_mem>>) src(%dma_wait3A_22 : memref<50x512xi32, #tpu.memory_space<hbm>>) dst(%arg8 : memref<50x512xi32, #tpu.memory_space<vmem>>)
    tpu.wait_dma2 semaphore(%arg11 : memref<!tpu.dma_semaphore, #tpu.memory_space<semaphore_mem>>) src(%arg7 : memref<24000xf32, #tpu.memory_space<vmem_shared>>) dst(%arg6 : memref<24000xf32, #tpu.memory_space<vmem>>)
    %broadcast_in_dim3A = arith.constant 2.000000e-02 : f32
    %broadcast_in_dim3A_23 = vector.broadcast %broadcast_in_dim3A : f32 to vector<16xf32>
    %broadcast_in_dim3A_24 = arith.constant 0.000000e+00 : f32
    %broadcast_in_dim3A_25 = vector.broadcast %broadcast_in_dim3A_24 : f32 to vector<16xf32>
    %scan3A = arith.constant 0 : i32
    %scan3A_26 = arith.constant 0 : i32
    %scan3A_27 = arith.constant 32 : i32
    %scan3A_28 = arith.addi %scan3A_26, %scan3A_27 : i32
    %scan3A_29 = arith.constant 1 : i32
    scf.for %scan3A_31 = %scan3A_26 to %scan3A_28 step %scan3A_29  : i32 {
      %mul3A_32 = arith.constant 16 : i32
      %mul3A_33 = arith.muli %scan3A_31, %mul3A_32 : i32
      %get3A = arith.index_cast %mul3A_33 : i32 to index
      %get3A_34 = tpu.vector_load %arg9[%get3A] {strides = array<i32>} : memref<512xi32, #tpu.memory_space<vmem>>, vector<16xi32>,
      %broadcast_in_dim3A_35 = arith.constant 24 : i32
      %broadcast_in_dim3A_36 = vector.broadcast %broadcast_in_dim3A_35 : i32 to vector<16xi32>
      %rem3A = arith.remsi %get3A_34, %broadcast_in_dim3A_36 : vector<16xi32>
      %broadcast_in_dim3A_37 = arith.constant 0.000000e+00 : f32
      %broadcast_in_dim3A_38 = vector.broadcast %broadcast_in_dim3A_37 : f32 to vector<16xf32>
      %scan3A_39 = arith.constant 0 : i32
      %scan3A_40 = arith.constant 5 : i32
      %scan3A_41 = arith.addi %scan3A_39, %scan3A_40 : i32
      %scan3A_42 = arith.constant 1 : i32
      %scan3A_43 = scf.for %scan3A_49 = %scan3A_39 to %scan3A_41 step %scan3A_42 iter_args(%scan3A_50 = %broadcast_in_dim3A_38) -> (vector<16xf32>)  : i32 {
        %mul3A_51 = arith.constant 10 : i32
        %mul3A_52 = arith.muli %scan3A_49, %mul3A_51 : i32
        %add3A_53 = arith.constant 0 : i32
        %add3A_54 = arith.addi %mul3A_52, %add3A_53 : i32
        %mul3A_55 = arith.constant 16 : i32
        %mul3A_56 = arith.muli %scan3A_31, %mul3A_55 : i32
        %get3A_57 = arith.index_cast %add3A_54 : i32 to index
        %get3A_58 = arith.index_cast %mul3A_56 : i32 to index
        %get3A_59 = tpu.vector_load %arg8[%get3A_57, %get3A_58] {strides = array<i32>} : memref<50x512xi32, #tpu.memory_space<vmem>>, vector<16xi32>,
        %mul3A_60 = arith.constant 24 : i32
        %mul3A_61 = vector.broadcast %mul3A_60 : i32 to vector<16xi32>
        %mul3A_62 = arith.muli %get3A_59, %mul3A_61 : vector<16xi32>
        %add3A_63 = arith.addi %mul3A_62, %rem3A : vector<16xi32>
        %gather3A = tpu.vector_load_idx %arg6[%add3A_63] : memref<24000xf32, #tpu.memory_space<vmem>>[vector<16xi32>], vector<16xf32>,
        %add3A_64 = arith.addf %scan3A_50, %gather3A : vector<16xf32>
        %mul3A_65 = arith.constant 10 : i32
        %mul3A_66 = arith.muli %scan3A_49, %mul3A_65 : i32
        %add3A_67 = arith.constant 1 : i32
        %add3A_68 = arith.addi %mul3A_66, %add3A_67 : i32
        %mul3A_69 = arith.constant 16 : i32
        %mul3A_70 = arith.muli %scan3A_31, %mul3A_69 : i32
        %get3A_71 = arith.index_cast %add3A_68 : i32 to index
        %get3A_72 = arith.index_cast %mul3A_70 : i32 to index
        %get3A_73 = tpu.vector_load %arg8[%get3A_71, %get3A_72] {strides = array<i32>} : memref<50x512xi32, #tpu.memory_space<vmem>>, vector<16xi32>,
        %mul3A_74 = arith.constant 24 : i32
        %mul3A_75 = vector.broadcast %mul3A_74 : i32 to vector<16xi32>
        %mul3A_76 = arith.muli %get3A_73, %mul3A_75 : vector<16xi32>
        %add3A_77 = arith.addi %mul3A_76, %rem3A : vector<16xi32>
        %gather3A_78 = tpu.vector_load_idx %arg6[%add3A_77] : memref<24000xf32, #tpu.memory_space<vmem>>[vector<16xi32>], vector<16xf32>,
        %add3A_79 = arith.addf %add3A_64, %gather3A_78 : vector<16xf32>
        %mul3A_80 = arith.constant 10 : i32
        %mul3A_81 = arith.muli %scan3A_49, %mul3A_80 : i32
        %add3A_82 = arith.constant 2 : i32
        %add3A_83 = arith.addi %mul3A_81, %add3A_82 : i32
        %mul3A_84 = arith.constant 16 : i32
        %mul3A_85 = arith.muli %scan3A_31, %mul3A_84 : i32
        %get3A_86 = arith.index_cast %add3A_83 : i32 to index
        %get3A_87 = arith.index_cast %mul3A_85 : i32 to index
        %get3A_88 = tpu.vector_load %arg8[%get3A_86, %get3A_87] {strides = array<i32>} : memref<50x512xi32, #tpu.memory_space<vmem>>, vector<16xi32>,
        %mul3A_89 = arith.constant 24 : i32
        %mul3A_90 = vector.broadcast %mul3A_89 : i32 to vector<16xi32>
        %mul3A_91 = arith.muli %get3A_88, %mul3A_90 : vector<16xi32>
        %add3A_92 = arith.addi %mul3A_91, %rem3A : vector<16xi32>
        %gather3A_93 = tpu.vector_load_idx %arg6[%add3A_92] : memref<24000xf32, #tpu.memory_space<vmem>>[vector<16xi32>], vector<16xf32>,
        %add3A_94 = arith.addf %add3A_79, %gather3A_93 : vector<16xf32>
        %mul3A_95 = arith.constant 10 : i32
        %mul3A_96 = arith.muli %scan3A_49, %mul3A_95 : i32
        %add3A_97 = arith.constant 3 : i32
        %add3A_98 = arith.addi %mul3A_96, %add3A_97 : i32
        %mul3A_99 = arith.constant 16 : i32
        %mul3A_100 = arith.muli %scan3A_31, %mul3A_99 : i32
        %get3A_101 = arith.index_cast %add3A_98 : i32 to index
        %get3A_102 = arith.index_cast %mul3A_100 : i32 to index
        %get3A_103 = tpu.vector_load %arg8[%get3A_101, %get3A_102] {strides = array<i32>} : memref<50x512xi32, #tpu.memory_space<vmem>>, vector<16xi32>,
        %mul3A_104 = arith.constant 24 : i32
        %mul3A_105 = vector.broadcast %mul3A_104 : i32 to vector<16xi32>
        %mul3A_106 = arith.muli %get3A_103, %mul3A_105 : vector<16xi32>
        %add3A_107 = arith.addi %mul3A_106, %rem3A : vector<16xi32>
        %gather3A_108 = tpu.vector_load_idx %arg6[%add3A_107] : memref<24000xf32, #tpu.memory_space<vmem>>[vector<16xi32>], vector<16xf32>,
        %add3A_109 = arith.addf %add3A_94, %gather3A_108 : vector<16xf32>
        %mul3A_110 = arith.constant 10 : i32
        %mul3A_111 = arith.muli %scan3A_49, %mul3A_110 : i32
        %add3A_112 = arith.constant 4 : i32
        %add3A_113 = arith.addi %mul3A_111, %add3A_112 : i32
        %mul3A_114 = arith.constant 16 : i32
        %mul3A_115 = arith.muli %scan3A_31, %mul3A_114 : i32
        %get3A_116 = arith.index_cast %add3A_113 : i32 to index
        %get3A_117 = arith.index_cast %mul3A_115 : i32 to index
        %get3A_118 = tpu.vector_load %arg8[%get3A_116, %get3A_117] {strides = array<i32>} : memref<50x512xi32, #tpu.memory_space<vmem>>, vector<16xi32>,
        %mul3A_119 = arith.constant 24 : i32
        %mul3A_120 = vector.broadcast %mul3A_119 : i32 to vector<16xi32>
        %mul3A_121 = arith.muli %get3A_118, %mul3A_120 : vector<16xi32>
        %add3A_122 = arith.addi %mul3A_121, %rem3A : vector<16xi32>
        %gather3A_123 = tpu.vector_load_idx %arg6[%add3A_122] : memref<24000xf32, #tpu.memory_space<vmem>>[vector<16xi32>], vector<16xf32>,
        %add3A_124 = arith.addf %add3A_109, %gather3A_123 : vector<16xf32>
        %mul3A_125 = arith.constant 10 : i32
        %mul3A_126 = arith.muli %scan3A_49, %mul3A_125 : i32
        %add3A_127 = arith.constant 5 : i32
        %add3A_128 = arith.addi %mul3A_126, %add3A_127 : i32
        %mul3A_129 = arith.constant 16 : i32
        %mul3A_130 = arith.muli %scan3A_31, %mul3A_129 : i32
        %get3A_131 = arith.index_cast %add3A_128 : i32 to index
        %get3A_132 = arith.index_cast %mul3A_130 : i32 to index
        %get3A_133 = tpu.vector_load %arg8[%get3A_131, %get3A_132] {strides = array<i32>} : memref<50x512xi32, #tpu.memory_space<vmem>>, vector<16xi32>,
        %mul3A_134 = arith.constant 24 : i32
        %mul3A_135 = vector.broadcast %mul3A_134 : i32 to vector<16xi32>
        %mul3A_136 = arith.muli %get3A_133, %mul3A_135 : vector<16xi32>
        %add3A_137 = arith.addi %mul3A_136, %rem3A : vector<16xi32>
        %gather3A_138 = tpu.vector_load_idx %arg6[%add3A_137] : memref<24000xf32, #tpu.memory_space<vmem>>[vector<16xi32>], vector<16xf32>,
        %add3A_139 = arith.addf %add3A_124, %gather3A_138 : vector<16xf32>
        %mul3A_140 = arith.constant 10 : i32
        %mul3A_141 = arith.muli %scan3A_49, %mul3A_140 : i32
        %add3A_142 = arith.constant 6 : i32
        %add3A_143 = arith.addi %mul3A_141, %add3A_142 : i32
        %mul3A_144 = arith.constant 16 : i32
        %mul3A_145 = arith.muli %scan3A_31, %mul3A_144 : i32
        %get3A_146 = arith.index_cast %add3A_143 : i32 to index
        %get3A_147 = arith.index_cast %mul3A_145 : i32 to index
        %get3A_148 = tpu.vector_load %arg8[%get3A_146, %get3A_147] {strides = array<i32>} : memref<50x512xi32, #tpu.memory_space<vmem>>, vector<16xi32>,
        %mul3A_149 = arith.constant 24 : i32
        %mul3A_150 = vector.broadcast %mul3A_149 : i32 to vector<16xi32>
        %mul3A_151 = arith.muli %get3A_148, %mul3A_150 : vector<16xi32>
        %add3A_152 = arith.addi %mul3A_151, %rem3A : vector<16xi32>
        %gather3A_153 = tpu.vector_load_idx %arg6[%add3A_152] : memref<24000xf32, #tpu.memory_space<vmem>>[vector<16xi32>], vector<16xf32>,
        %add3A_154 = arith.addf %add3A_139, %gather3A_153 : vector<16xf32>
        %mul3A_155 = arith.constant 10 : i32
        %mul3A_156 = arith.muli %scan3A_49, %mul3A_155 : i32
        %add3A_157 = arith.constant 7 : i32
        %add3A_158 = arith.addi %mul3A_156, %add3A_157 : i32
        %mul3A_159 = arith.constant 16 : i32
        %mul3A_160 = arith.muli %scan3A_31, %mul3A_159 : i32
        %get3A_161 = arith.index_cast %add3A_158 : i32 to index
        %get3A_162 = arith.index_cast %mul3A_160 : i32 to index
        %get3A_163 = tpu.vector_load %arg8[%get3A_161, %get3A_162] {strides = array<i32>} : memref<50x512xi32, #tpu.memory_space<vmem>>, vector<16xi32>,
        %mul3A_164 = arith.constant 24 : i32
        %mul3A_165 = vector.broadcast %mul3A_164 : i32 to vector<16xi32>
        %mul3A_166 = arith.muli %get3A_163, %mul3A_165 : vector<16xi32>
        %add3A_167 = arith.addi %mul3A_166, %rem3A : vector<16xi32>
        %gather3A_168 = tpu.vector_load_idx %arg6[%add3A_167] : memref<24000xf32, #tpu.memory_space<vmem>>[vector<16xi32>], vector<16xf32>,
        %add3A_169 = arith.addf %add3A_154, %gather3A_168 : vector<16xf32>
        %mul3A_170 = arith.constant 10 : i32
        %mul3A_171 = arith.muli %scan3A_49, %mul3A_170 : i32
        %add3A_172 = arith.constant 8 : i32
        %add3A_173 = arith.addi %mul3A_171, %add3A_172 : i32
        %mul3A_174 = arith.constant 16 : i32
        %mul3A_175 = arith.muli %scan3A_31, %mul3A_174 : i32
        %get3A_176 = arith.index_cast %add3A_173 : i32 to index
        %get3A_177 = arith.index_cast %mul3A_175 : i32 to index
        %get3A_178 = tpu.vector_load %arg8[%get3A_176, %get3A_177] {strides = array<i32>} : memref<50x512xi32, #tpu.memory_space<vmem>>, vector<16xi32>,
        %mul3A_179 = arith.constant 24 : i32
        %mul3A_180 = vector.broadcast %mul3A_179 : i32 to vector<16xi32>
        %mul3A_181 = arith.muli %get3A_178, %mul3A_180 : vector<16xi32>
        %add3A_182 = arith.addi %mul3A_181, %rem3A : vector<16xi32>
        %gather3A_183 = tpu.vector_load_idx %arg6[%add3A_182] : memref<24000xf32, #tpu.memory_space<vmem>>[vector<16xi32>], vector<16xf32>,
        %add3A_184 = arith.addf %add3A_169, %gather3A_183 : vector<16xf32>
        %mul3A_185 = arith.constant 10 : i32
        %mul3A_186 = arith.muli %scan3A_49, %mul3A_185 : i32
        %add3A_187 = arith.constant 9 : i32
        %add3A_188 = arith.addi %mul3A_186, %add3A_187 : i32
        %mul3A_189 = arith.constant 16 : i32
        %mul3A_190 = arith.muli %scan3A_31, %mul3A_189 : i32
        %get3A_191 = arith.index_cast %add3A_188 : i32 to index
        %get3A_192 = arith.index_cast %mul3A_190 : i32 to index
        %get3A_193 = tpu.vector_load %arg8[%get3A_191, %get3A_192] {strides = array<i32>} : memref<50x512xi32, #tpu.memory_space<vmem>>, vector<16xi32>,
        %mul3A_194 = arith.constant 24 : i32
        %mul3A_195 = vector.broadcast %mul3A_194 : i32 to vector<16xi32>
        %mul3A_196 = arith.muli %get3A_193, %mul3A_195 : vector<16xi32>
        %add3A_197 = arith.addi %mul3A_196, %rem3A : vector<16xi32>
        %gather3A_198 = tpu.vector_load_idx %arg6[%add3A_197] : memref<24000xf32, #tpu.memory_space<vmem>>[vector<16xi32>], vector<16xf32>,
        %add3A_199 = arith.addf %add3A_184, %gather3A_198 : vector<16xf32>
        scf.yield %add3A_199 : vector<16xf32>
      }
      %scan3A_44 = arith.constant 5 : i32
      %mul3A_45 = arith.mulf %scan3A_43, %broadcast_in_dim3A_23 : vector<16xf32>
      %max3A = arith.maximumf %mul3A_45, %broadcast_in_dim3A_25 : vector<16xf32>
      %mul3A_46 = arith.constant 16 : i32
      %mul3A_47 = arith.muli %scan3A_31, %mul3A_46 : i32
      %swap3A = arith.index_cast %mul3A_47 : i32 to index
      %swap3A_48 = tpu.vector_load %arg10[%swap3A] {strides = array<i32>} : memref<512xf32, #tpu.memory_space<vmem>>, vector<16xf32>,
      tpu.vector_store %arg10[%swap3A], %max3A {strides = array<i32>} : memref<512xf32, #tpu.memory_space<vmem>>, vector<16xf32>,
    }
    %scan3A_30 = arith.constant 32 : i32
    "tpu.region"() ({
      %run_scoped3A = tpu.sem_alloc : memref<!tpu.dma_semaphore, #tpu.memory_space<semaphore_mem>>
      %dma_start3A_31 = tpu.memref_slice %arg5[%mul3A_2] : memref<16384xf32, #tpu.memory_space<hbm>> -> memref<512xf32, #tpu.memory_space<hbm>>
      %dma_start3A_32 = tpu.memref_slice %arg5[%mul3A_2] : memref<16384xf32, #tpu.memory_space<hbm>> -> memref<512xf32, #tpu.memory_space<hbm>>
      tpu.enqueue_dma source(%arg10 : memref<512xf32, #tpu.memory_space<vmem>>) target(%dma_start3A_32 : memref<512xf32, #tpu.memory_space<hbm>>) target_semaphore(%run_scoped3A : memref<!tpu.dma_semaphore, #tpu.memory_space<semaphore_mem>>)
      %dma_wait3A_33 = tpu.memref_slice %arg5[%mul3A_2] : memref<16384xf32, #tpu.memory_space<hbm>> -> memref<512xf32, #tpu.memory_space<hbm>>
      %dma_wait3A_34 = tpu.memref_slice %arg5[%mul3A_2] : memref<16384xf32, #tpu.memory_space<hbm>> -> memref<512xf32, #tpu.memory_space<hbm>>
      tpu.wait_dma2 semaphore(%run_scoped3A : memref<!tpu.dma_semaphore, #tpu.memory_space<semaphore_mem>>) src(%arg10 : memref<512xf32, #tpu.memory_space<vmem>>) dst(%dma_wait3A_34 : memref<512xf32, #tpu.memory_space<hbm>>)
      tpu.yield
    }) : () -> ()
    return
  }
}

module attributes {stable_mosaic.version = 14 : i64} {
  func.func @_project_kernel(%arg0: i32, %arg1: memref<12000x128xf32, #tpu.memory_space<vmem>>, %arg2: memref<1x128xf32, #tpu.memory_space<vmem>>, %arg3: memref<1x1xf32, #tpu.memory_space<vmem>>, %arg4: memref<12000x1xf32, #tpu.memory_space<vmem>>) attributes {dimension_semantics = [#tpu.dimension_semantics<arbitrary>], iteration_bounds = array<i64: 2>, scalar_prefetch = 0 : i64, scratch_operands = 0 : i64, tpu.core_type = #tpu.core_type<tc>, window_params = [{transform_indices = @transform_0, window_bounds = array<i64: 12000, 128>}, {pipeline_mode = #tpu.pipeline_mode<synchronous>, transform_indices = @transform_1, window_bounds = array<i64: 1, 128>}, {pipeline_mode = #tpu.pipeline_mode<synchronous>, transform_indices = @transform_2, window_bounds = array<i64: 1, 1>}, {transform_indices = @transform_3, window_bounds = array<i64: 12000, 1>}]} {
    %get3A = arith.constant 0 : index
    %get3A_0 = arith.constant 0 : index
    %get3A_1 = vector.load %arg3[%get3A, %get3A_0] : memref<1x1xf32, #tpu.memory_space<vmem>>, vector<1x1xf32>
    %get3A_2 = vector.extract %get3A_1[0, 0] : f32 from vector<1x1xf32>
    %get3A_3 = arith.constant 0 : index
    %get3A_4 = arith.constant 0 : index
    %get3A_5 = vector.load %arg1[%get3A_3, %get3A_4] : memref<12000x128xf32, #tpu.memory_space<vmem>>, vector<12000x128xf32>
    %get3A_6 = arith.constant 0 : index
    %get3A_7 = arith.constant 0 : index
    %get3A_8 = vector.load %arg2[%get3A_6, %get3A_7] : memref<1x128xf32, #tpu.memory_space<vmem>>, vector<1x128xf32>
    %mul3A = vector.broadcast %get3A_8 : vector<1x128xf32> to vector<12000x128xf32>
    %mul3A_9 = arith.mulf %get3A_5, %mul3A : vector<12000x128xf32>
    %reduce_sum3A = arith.constant dense<0.000000e+00> : vector<12000xf32>
    %reduce_sum3A_10 = vector.multi_reduction <add>, %mul3A_9, %reduce_sum3A [1] : vector<12000x128xf32> to vector<12000xf32>
    %broadcast_in_dim3A = vector.shape_cast %reduce_sum3A_10 : vector<12000xf32> to vector<12000x1xf32>
    %iota3A = tpu.iota {dimensions = array<i32: 0>} : vector<12000x1xi32>
    %mul3A_11 = arith.constant 12000 : i32
    %mul3A_12 = arith.muli %arg0, %mul3A_11 : i32
    %add3A = vector.broadcast %mul3A_12 : i32 to vector<12000x1xi32>
    %add3A_13 = arith.addi %iota3A, %add3A : vector<12000x1xi32>
    %lt3A = arith.constant 24 : i32
    %lt3A_14 = vector.broadcast %lt3A : i32 to vector<12000x1xi32>
    %lt3A_15 = arith.cmpi slt, %add3A_13, %lt3A_14 : vector<12000x1xi32>
    %jit3A = arith.constant 0.000000e+00 : f32
    %broadcast_in_dim3A_16 = vector.broadcast %jit3A : f32 to vector<12000x1xf32>
    %select_n3A = arith.select %lt3A_15, %broadcast_in_dim3A_16, %broadcast_in_dim3A : vector<12000x1xi1>, vector<12000x1xf32>
    %add3A_17 = vector.broadcast %get3A_2 : f32 to vector<12000x1xf32>
    %add3A_18 = arith.addf %select_n3A, %add3A_17 : vector<12000x1xf32>
    %swap3A = arith.constant 0 : index
    %swap3A_19 = arith.constant 0 : index
    %swap3A_20 = vector.load %arg4[%swap3A, %swap3A_19] : memref<12000x1xf32, #tpu.memory_space<vmem>>, vector<12000x1xf32>
    tpu.vector_store %arg4[%swap3A, %swap3A_19], %add3A_18 {strides = array<i32>} : memref<12000x1xf32, #tpu.memory_space<vmem>>, vector<12000x1xf32>,
    return
  }
  func.func @transform_0(%arg0: i32) -> (i32, i32) {
    %c0_i32 = arith.constant 0 : i32
    %c0_i32_0 = arith.constant 0 : i32
    return %arg0, %c0_i32 : i32, i32
  }
  func.func @transform_1(%arg0: i32) -> (i32, i32) {
    %c0_i32 = arith.constant 0 : i32
    %c0_i32_0 = arith.constant 0 : i32
    %c0_i32_1 = arith.constant 0 : i32
    return %c0_i32, %c0_i32_0 : i32, i32
  }
  func.func @transform_2(%arg0: i32) -> (i32, i32) {
    %c0_i32 = arith.constant 0 : i32
    %c0_i32_0 = arith.constant 0 : i32
    %c0_i32_1 = arith.constant 0 : i32
    return %c0_i32, %c0_i32_0 : i32, i32
  }
  func.func @transform_3(%arg0: i32) -> (i32, i32) {
    %c0_i32 = arith.constant 0 : i32
    %c0_i32_0 = arith.constant 0 : i32
    return %arg0, %c0_i32 : i32, i32
  }
}

</mosaic_0001>

<sc_bundles>
// kernel: kernel.4.cloned.1.call-start
scs
__scs_entry_jumppad:
0x0: {  	(pc) =	sbr.rel $0x88, $3  }
0x1: {  	(tag) =	ssettag $0x0;
	lr =	simm.s32 $0x1  }
0x2: {  	[smem:$0x3F9C] =	sst lr;
	_ =	strace $0xD0000000  }
0x3: {  	_ = 	snop  }
0x4: {  	_ = 	snop  }
0x5: {  	_ = 	snop  }
0x6: {  	_ = 	snop  }
0x7: {  	_ = 	snop  }
__scs_overlays_trampoline_lowered:
0x8: {  	[smem:$0x3FAB] =	sst s0  }
0x9: {  	[smem:$0x3FAC] =	sst s1  }
0xa: {  	[smem:$0x3FAD] =	sst s2  }
0xb: {  	[smem:$0x3FAE] =	sst s3  }
0xc: {  	[smem:$0x3FAF] =	sst s4  }
0xd: {  	[smem:$0x3FB0] =	sst s5  }
0xe: {  	[smem:$0x3FB1] =	sst s6  }
0xf: {  	[smem:$0x3FB2] =	sst s7  }
0x10: {  	[smem:$0x3FB3] =	sst s8  }
0x11: {  	[smem:$0x3FB4] =	sst s9;
	s0 =	simm.s32 @!p0 $0x0  }
0x12: {  	s1 =	sld [smem:$0x3F9A];
	s0 =	simm.s32 @p0 $0x1  }
0x13: {  	[smem:$0x3FB5] =	sst s0;
	s0 =	simm.s32 @!p1 $0x0  }
0x14: {  	s2 =	sld [smem:$0x3F99];
	s0 =	simm.s32 @p1 $0x1  }
0x15: {  	[smem:$0x3FB6] =	sst s0;
	s0 =	simm.s32 @!p2 $0x0  }
0x16: {  	s3 =	sld [smem:$0x3FDB];
	s0 =	simm.s32 @p2 $0x1  }
0x17: {  	s4 =	simm.s32 $0x1BF5;
	[smem:$0x3FB8] =	sst s0  }
0x18: {  	s0 =	sld [smem:$0x3F9B];
	_ =	swait.ge [sflag:s4], $0x0  }
0x19: {  	s7 =	sld [smem:$0x3F9C]  }
0x1a: {  	s8 =	sadd.s32 $0xFFFFE003, lr  }
0x1b: {  	s9 =	sadd.s32 $0xFFFFFEF7, lr;
	s5 =	simm.s32 $0xFFFFFFFF;
	p2 =	slt.u32 s8, $0xFFFFF086  }
0x1c: {  	p1 =	slt.u32 s9, $0xF7A;
	s5 =	simm.s32 @!p2 $0x0  }
0x1d: {  	s5 =	simm.s32 @p1 $0x1;
	p0 =	seq.s32 s7, s2  }
0x1e: {  	s7 =	smul.u32 @!p0 $0xF7A, s2;
	p2 =	seq.s32 @!p0 s5, $0x0  }
0x1f: {  	s9 =	smul.u32 $0xF7A, s1;
	s8 =	simm.s32 @!p0 $0x1BF5;
	p2 =	por !p2, p0  }
0x20: {  	[sflag:s8] =	ssyncset.s32 @!p0 $0xFFFFF086;
	s6 =	sadd.s32 @!p0 s3, s7;
	s7 =	simm.s32 @!p0 $0x108  }
0x21: {  	s3 =	sadd.s32 s3, s9;
	s6 =	sadd.s32 @!p0 $0x88, s6;
	s7 =	simm.s32 @p2 $0x1082  }
0x22: {  	[simem:s7], [sflag:s8] =	dma.local @!p0 [hbm:s6], $0xF7A  }
0x23: {  	s9 =	sor.u32 $0xD0000000, s2;
	s6 =	simm.s32 $0x108;
	_ =	swait.ge @!p0 [sflag:s8], $0x0  }
0x24: {  	s3 =	sadd.s32 $0x88, s3;
	s6 =	simm.s32 @!p1 $0x1082;
	[sflag:s4] =	ssyncset.s32 $0xFFFFF086  }
0x25: {  	[simem:s6], [sflag:s4] =	dma.local [hbm:s3], $0xF7A  }
0x26: {  	[smem:$0x3F9C] =	sst s1;
	(tag) =	ssettag s2;
	_ =	strace s9  }
0x27: {  	s1 =	sld [smem:$0x3FAC]  }
0x28: {  	s2 =	sld [smem:$0x3FAD]  }
0x29: {  	s4 =	sld [smem:$0x3FAF]  }
0x2a: {  	p0 =	seq.s32 s5, $0x0;
	s5 =	sld [smem:$0x3FB0]  }
0x2b: {  	s6 =	sld [smem:$0x3FB1]  }
0x2c: {  	s7 =	sld [smem:$0x3FB2]  }
0x2d: {  	s3 =	simm.s32 $0x108;
	s8 =	sld [smem:$0x3FB3]  }
0x2e: {  	s3 =	simm.s32 @!p0 $0x1082;
	s9 =	sld [smem:$0x3FB4]  }
0x2f: {  	lr =	sadd.s32 s0, s3;
	s0 =	sld [smem:$0x3FAB]  }
0x30: {  	s3 =	sld [smem:$0x3FAE]  }
0x31: {  	[smem:$0x3FB7] =	sst s10  }
0x32: {  	s10 =	sld [smem:$0x3FB5];
	_ =	sdelay $0x3  }
0x33: {  	p0 =	seq.s32 s10, $0x1;
	s10 =	sld [smem:$0x3FB7];
	_ =	sdelay $0x3  }
0x34: {  	[smem:$0x3FB7] =	sst s10  }
0x35: {  	s10 =	sld [smem:$0x3FB6];
	_ =	sdelay $0x3  }
0x36: {  	p1 =	seq.s32 s10, $0x1;
	s10 =	sld [smem:$0x3FB7];
	_ =	sdelay $0x3  }
0x37: {  	[smem:$0x3FB7] =	sst s10  }
0x38: {  	s10 =	sld [smem:$0x3FB8]  }
0x39: {  	_ = 	snop;
	(pc) =	sbr.ind lr, $3  }
0x3a: {  	_ = 	snop  }
0x3b: {  	_ = 	snop  }
0x3c: {  	p2 =	seq.s32 s10, $0x1;
	s10 =	sld [smem:$0x3FB7]  }
0x3d: {  	_ =	shalt  }
0x3e: {  	_ =	shalt  }
0x3f: {  	_ =	shalt  }
0x40: {  	_ =	shalt  }
0x41: {  	_ =	shalt  }
0x42: {  	_ =	shalt  }
0x43: {  	_ =	shalt  }
0x44: {  	_ =	shalt  }
0x45: {  	_ =	shalt  }
0x46: {  	_ =	shalt  }
0x47: {  	_ =	shalt  }
0x48: {  	_ =	shalt  }
0x49: {  	_ =	shalt  }
0x4a: {  	_ =	shalt  }
0x4b: {  	_ =	shalt  }
0x4c: {  	_ =	shalt  }
0x4d: {  	_ =	shalt  }
0x4e: {  	_ =	shalt  }
0x4f: {  	_ =	shalt  }
0x50: {  	_ =	shalt  }
0x51: {  	_ =	shalt  }
0x52: {  	_ =	shalt  }
0x53: {  	_ =	shalt  }
0x54: {  	_ =	shalt  }
0x55: {  	_ =	shalt  }
0x56: {  	_ =	shalt  }
0x57: {  	_ =	shalt  }
0x58: {  	_ =	shalt  }
0x59: {  	_ =	shalt  }
0x5a: {  	_ =	shalt  }
0x5b: {  	_ =	shalt  }
0x5c: {  	_ =	shalt  }
0x5d: {  	_ =	shalt  }
0x5e: {  	_ =	shalt  }
0x5f: {  	_ =	shalt  }
0x60: {  	_ =	shalt  }
0x61: {  	_ =	shalt  }
0x62: {  	_ =	shalt  }
0x63: {  	_ =	shalt  }
0x64: {  	_ =	shalt  }
0x65: {  	_ =	shalt  }
0x66: {  	_ =	shalt  }
0x67: {  	_ =	shalt  }
0x68: {  	_ =	shalt  }
0x69: {  	_ =	shalt  }
0x6a: {  	_ =	shalt  }
0x6b: {  	_ =	shalt  }
0x6c: {  	_ =	shalt  }
0x6d: {  	_ =	shalt  }
0x6e: {  	_ =	shalt  }
0x6f: {  	_ =	shalt  }
0x70: {  	_ =	shalt  }
0x71: {  	_ =	shalt  }
0x72: {  	_ =	shalt  }
0x73: {  	_ =	shalt  }
0x74: {  	_ =	shalt  }
0x75: {  	_ =	shalt  }
0x76: {  	_ =	shalt  }
0x77: {  	_ =	shalt  }
0x78: {  	_ =	shalt  }
0x79: {  	_ =	shalt  }
0x7a: {  	_ =	shalt  }
0x7b: {  	_ =	shalt  }
0x7c: {  	_ =	shalt  }
0x7d: {  	_ =	shalt  }
0x7e: {  	_ =	shalt  }
0x7f: {  	_ =	shalt  }
0x80: {  	_ =	shalt  }
0x81: {  	_ =	shalt  }
0x82: {  	_ =	shalt  }
0x83: {  	_ =	shalt  }
0x84: {  	_ =	shalt  }
0x85: {  	_ =	shalt  }
0x86: {  	_ =	shalt  }
0x87: {  	_ =	shalt  }
.Lfunc_end0:
.L_simem_size_0:
called_computation_lowered:
.L_overlay_start_0:
0x88: {  	s2 =	sld [smem:$0x3FD9]  }
0x89: {  	s3 =	sld [smem:$0x3FFE];
	_ =	sdelay $0x1  }
0x8a: {  	s1 =	srdreg.scid  }
0x8b: {  	s0 =	sand.u32 $0x1, s1  }
0x8c: {  	s17 =	sshll.u32 s0, $0xA;
	s2 =	sadd.s32 s3, s2  }
0x8d: {  	s2 =	sadd.s32 s2, s17  }
0x8e: {  	[smem:$0x3FC3] =	sst s2  }
0x8f: {  	_ = 	snop  }
0x90: {  	s2 =	sld [smem:$0x3FC9]  }
0x91: {  	s18 =	sld [smem:$0x3FD0];
	(tm) =	ssettm $0x1  }
0x92: {  	s4 =	sld [smem:$0x3FFB];
	_ =	sdelay $0x3  }
0x93: {  	_ =	strace s4  }
0x94: {  	s4 =	sld [smem:$0x3FFC];
	_ =	sdelay $0x3  }
0x95: {  	_ =	strace s4  }
0x96: {  	s4 =	sld [smem:$0x3FFD];
	_ =	sdelay $0x3  }
0x97: {  	_ =	strace s4  }
0x98: {  	_ =	strace $0x8FFFFFFF  }
0x99: {  	s19 =	sld [smem:$0x3FDB];
	_ =	sdelay $0x1  }
0x9a: {  	s5 =	simm.s32 $_scs_section_size  }
0x9b: {  	s6 =	simm.s32 $_size__tile_overlayer_lowered;
	s7 =	simm.s32 $_tile_overlayer_lowered  }
0x9c: {  	s22 =	simm.s32 $0x1BFF;
	s21 =	sshll.u32 s7, $0x1;
	s4 =	sadd.s32 s5, s19  }
0x9d: {  	s8 =	simm.s32 $0x0;
	s20 =	sshll.u32 s6, $0x1;
	s6 =	sadd.s32 s21, s4  }
0x9e: {  	[timem:s8], [sflag:s22] =	dma.local [hbm:s6], s20  }
0x9f: {  	_ =	swait.ge [sflag:s22], s20  }
0xa0: {  	s5 =	ssub.s32 $0x0, s20;
	[sflag:s22] =	ssyncset.done $0x0  }
0xa1: {  	[sflag:s22] =	ssyncadd.s32 s5;
	_ =	sdelay $0x1  }
0xa2: {  	s23 =	simm.s32 $0x1B8B  }
0xa3: {  	_ =	swait.ge [sflag:s23], $0x1  }
0xa4: {  	[sflag:s23] =	ssyncset.done $0x0  }
0xa5: {  	s25 =	simm.s32 $0x1B8E;
	s24 =	sld [smem:$0x3FFE];
	[sflag:s23] =	ssyncadd.s32 $0xFFFFFFFF  }
0xa6: {  	s26 =	simm.s32 $execute0_lowered;
	[smem:$0x3FD2] =	sst s25  }
0xa7: {  	s6 =	sshll.u32 s26, $0x1;
	_ =	strace $0x80000046;
	[dreg:$0x1] =	wrdreg $0xFFFFFFFF  }
0xa8: {  	s28 =	simm.s32 $_size_execute0_lowered;
	s4 =	sadd.s32 s4, s6;
	[dreg:$0x0] =	wrdreg $0x0  }
0xa9: {  	s6 =	sshll.u32 s28, $0x1;
	[dreg:$0x2] =	wrdreg s4  }
0xaa: {  	[dreg:$0x3] =	wrdreg s6  }
0xab: {  	[dreg:$0x4] =	wrdreg $0xC0  }
0xac: {  	_ =	task [dreg:s8], $0x5FFFF  }
0xad: {  	[dreg:$0x1] =	wrdreg $0xFFFFFFFF  }
0xae: {  	[dreg:$0x0] =	wrdreg $0x60  }
0xaf: {  	[dreg:$0x2] =	wrdreg s24  }
0xb0: {  	[dreg:$0x3] =	wrdreg s2  }
0xb1: {  	[dreg:$0x4] =	wrdreg s18  }
0xb2: {  	[dreg:$0x5] =	wrdreg $0x5E000  }
0xb3: {  	[dreg:$0x6] =	wrdreg $0x9  }
0xb4: {  	_ =	task.clear_ibuf [dreg:s8], $0x7FFFF;
	_ =	strace $0x90000046  }
0xb5: {  	s29 =	simm.s32 $0x9;
	_ =	strace $0x80000048  }
0xb6: {  	_ =	swait.ge [sflag:s29], $0x1  }
0xb7: {  	[sflag:s29] =	ssyncadd.s32 $0xFFFFFFFF  }
0xb8: {  	_ =	strace $0x90000048  }
0xb9: {  	_ =	sfence  }
0xba: {  	s30 =	sld [smem:$0x0];
	_ =	sdelay $0x2  }
0xbb: {  	s31 =	sshll.u32 s1, $0xD;
	s1 =	sshrl.u32 s1, $0x2  }
0xbc: {  	s3 =	sand.u32 $0x4000, s31;
	s1 =	sadd.s32 s1, s30  }
0xbd: {  	s0 =	sor.u32 s3, s0;
	s1 =	sshll.u32 s1, $0x11  }
0xbe: {  	s0 =	sor.u32 s1, s0  }
0xbf: {  	s0 =	sadd.s32 $0x8F2B, s0  }
0xc0: {  	[sflag:s0] =	ssyncadd.remote.s32 $0x1  }
0xc1: {  	_ =	sfence.sel $0xFFFF  }
0xc2: {  	[dreg:$0x0] =	wrdreg $0xFFFFFFFF;
	(pc) =	sbr.abs _section_cstart, $3  }
0xc3: {  	[dreg:$0x1] =	wrdreg $0xFFFFFFFF  }
0xc4: {  	_ =	task.clear_ibuf [dreg:s8], $0x2FFFF;
	_ =	strace $0x9FFFFFFF  }
0xc5: {  	(tm) =	ssettm $0x7FFFFFFF  }
tec
execute0_lowered:
.L_overlay_start_1:
0x0: {  	(tag) =	ssettag $0x1  }
0x1: {  	s4 =	rddreg [dreg:$0x0]  }
0x2: {  	s5 =	rddreg [dreg:$0x1]  }
0x3: {  	s6 =	rddreg [dreg:$0x2];
	s0 =	srdreg.scid  }
0x4: {  	s8 =	stileid.u32;
	s1 =	rddreg [dreg:$0x3];
	s2 =	simm.s32 $0x0  }
0x5: {  	s7 =	sand.u32 $0x1, s0;
	s3 =	sshll.u32 s8, $0x1;
	[smem:$0x7FF] =	sst s2  }
0x6: {  	s25 =	sadd.s32 $0x1C200, s4;
	p0 =	sne.s32 s8, $0x0;
	s9 =	sor.u32 s7, s3  }
0x7: {  	_ =	strace $0x80000047;
	[dreg:$0x5] =	wrdreg s25;
	s7 =	ssub.s32 $0x2, s7  }
0x8: {  	s0 =	sshrl.u32 @!p0 s1, $0x3;
	s10 =	smul.u32 $0xE00, s9;
	s9 =	sshll.u32 s9, $0x6  }
0x9: {  	v0 =	vimm.s32 $0xECA86420;
	vm0 =	vcmask $0xB08;
	s26 =	sshrl.u32 s7, $0x1;
	[dreg:$0xa] =	wrdreg s0;
	s29 =	sadd.s32 s5, s9  }
0xa: {  	vm1 =	vcmask $0x1310;
	vm2 =	vcmask $0x1B18;
	vm3 =	vcmask $0x300;
	s7 =	ssub.s32 s7, s26;
	s30 =	sadd.s32 s6, s9;
	[dreg:$0x7] =	wrdreg s29  }
0xb: {  	vm4 =	vcmask $0x2320;
	vm5 =	vcmask $0x2B28;
	v0 =	vunpack.c.l.s4.s8 v0;
	s4 =	sadd.s32 s10, s4;
	[dreg:$0x8] =	wrdreg s30;
	s31 =	smax.u32 s7, $0x1  }
0xc: {  	vm6 =	vcmask $0x3330;
	v1 =	vlaneseq.u32;
	vm7 =	vcmask $0x3B38;
	s28 =	sadd.s32 $0x200, s4;
	[dreg:$0x9] =	wrdreg s31  }
0xd: {  	vm8 =	vmmov $0xff;
	v1 =	vmul.u32 $0x2, v1;
	s3 =	simm.s32 $0x0;
	v0 =	vunpack.c.0.s8.s32 v0;
	[dreg:$0x6] =	wrdreg s28  }
.LBB2_1:
0xe: {  	[dreg:$0xb] =	wrdreg s3  }
0xf: {  	s0 =	rddreg [dreg:$0x6]  }
0x10: {  	s1 =	simm.s32 $0x63E0;
	s25 =	rddreg [dreg:$0x7]  }
0x11: {  	[tilespmem:s1], [sflag:$0x2] =	stream.linear.gather [hbm4b:s0+s2], $0x7000, $0x38;
	[tilespmem:$0xD7E0] =	vst v63  }
0x12: {  	s0 =	rddreg [dreg:$0x5]  }
0x13: {  	s26 =	simm.s32 $0xD3E0;
	s17 =	simm.s32 @!p0 $0x1C04;
	s1 =	rddreg [dreg:$0xa]  }
0x14: {  	[tilespmem:s26], [sflag:$0x3] =	stream.linear.gather [hbm4b:s25+s2], $0x200, $0x38;
	[tilespmem:$0xD7E0] =	vst v63  }
0x15: {  	[spmem:s1], [sflag:s17] =	dma.local @!p0 [hbm:s0], $0xBC0  }
0x16: {  	s17 =	simm.s32 @!p0 $0x4  }
0x17: {  	_ =	swait.ge @!p0 [sflag:s17], $0xBC0  }
0x18: {  	[sflag:s17] =	ssyncset.done @!p0 $0x0  }
0x19: {  	[sflag:s17] =	ssyncadd.s32 @!p0 $0xFFFFF440  }
0x1a: {  	[bflag:$0x0] =	sbarrier.arrive $0xFFFF  }
0x1b: {  	s29 =	simm.s32 $0x3;
	s28 =	rddreg [dreg:$0x3]  }
0x1c: {  	[tilespmem:s2], [sflag:$0x1] =	stream.linear.gather [spmem:s28], $0x5E00, $0x38;
	[tilespmem:$0xD7E0] =	vst v63  }
0x1d: {  	_ =	swait.ge [sflag:s29], $0x200  }
0x1e: {  	[sflag:s29] =	ssyncset.done $0x0  }
0x1f: {  	s30 =	simm.s32 $0x2;
	[sflag:s29] =	ssyncadd.s32 $0xFFFFFE00  }
0x20: {  	_ =	swait.ge [sflag:s30], $0x7000  }
0x21: {  	[sflag:s30] =	ssyncset.done $0x0  }
0x22: {  	s31 =	simm.s32 $0x1;
	[sflag:s30] =	ssyncadd.s32 $0xFFFF9000  }
0x23: {  	_ =	swait.ge [sflag:s31], $0x5E00  }
0x24: {  	[sflag:s31] =	ssyncset.done $0x0  }
0x25: {  	s17 =	simm.s32 $0x0;
	[sflag:s31] =	ssyncadd.s32 $0xFFFFA200  }
.LBB2_2:
0x26: {  	s13 =	sshll.u32 s17, $0x4  }
0x27: {  	v3 =	vld [tilespmem:s13+$0xD3E0];
	_ =	sdelay $0x4  }
0x28: {  	(v2sf) =	vpush v3, $0xD;
	_ =	sdelay $0x1  }
0x29: {  	(v2sf) =	vpush v3, $0xC;
	_ =	sdelay $0x1  }
0x2a: {  	(v2sf) =	vpush v3, $0xE;
	_ =	sdelay $0x1  }
0x2b: {  	(v2sf) =	vpush v3, $0xF;
	_ =	sdelay $0x1  }
0x2c: {  	(v2sf) =	vpush v3, $0x9;
	_ =	sdelay $0x1  }
0x2d: {  	(v2sf) =	vpush v3, $0x8  }
0x2e: {  	(v2sf) =	vpush v3, $0xA  }
0x2f: {  	(v2sf) =	vpush v3, $0xB  }
0x30: {  	(v2sf) =	vpush v3, $0x0  }
0x31: {  	(v2sf) =	vpush v3, $0x1  }
0x32: {  	(v2sf) =	vpush v3, $0x2;
	s19 =	spop (v2sf)  }
0x33: {  	(v2sf) =	vpush v3, $0x3;
	s20 =	smulhi.u32 $0x2AAAAAAB, s19;
	s19 =	sshra.s32 s19, $0x1F  }
0x34: {  	(v2sf) =	vpush v3, $0x4;
	s12 =	spop (v2sf);
	s21 =	smul.u32 $0x2AAAAAAB, s19  }
0x35: {  	s22 =	smulhi.u32 $0x2AAAAAAB, s12;
	s19 =	sshra.s32 s12, $0x1F  }
0x36: {  	s23 =	spop (v2sf);
	s24 =	smul.u32 $0x2AAAAAAB, s19  }
0x37: {  	s25 =	smulhi.u32 $0x2AAAAAAB, s23;
	s14 =	sshra.s32 s23, $0x1F  }
0x38: {  	s15 =	spop (v2sf);
	s26 =	smul.u32 $0x2AAAAAAB, s14  }
0x39: {  	[dreg:$0xc] =	wrdreg s13;
	s28 =	smulhi.u32 $0x2AAAAAAB, s15;
	s23 =	sshra.s32 s15, $0x1F  }
0x3a: {  	s16 =	spop (v2sf);
	s23 =	smul.u32 $0x2AAAAAAB, s23  }
0x3b: {  	s21 =	sadd.s32 s21, s20;
	s31 =	smulhi.u32 $0x2AAAAAAB, s16;
	s19 =	sshra.s32 s16, $0x1F  }
0x3c: {  	s29 =	spop (v2sf);
	s24 =	sadd.s32 s24, s22;
	s1 =	smul.u32 $0x2AAAAAAB, s19  }
0x3d: {  	(v2sf) =	vpush v3, $0x5;
	s30 =	spop (v2sf);
	s8 =	smulhi.u32 $0x2AAAAAAB, s29;
	s29 =	sshra.s32 s29, $0x1F  }
0x3e: {  	s15 =	sshrl.u32 s21, $0x1F;
	s0 =	spop (v2sf);
	s29 =	smul.u32 $0x2AAAAAAB, s29  }
0x3f: {  	(v2sf) =	vpush v3, $0x6;
	s3 =	smulhi.u32 $0x2AAAAAAB, s30;
	s30 =	sshra.s32 s30, $0x1F;
	s18 =	spop (v2sf)  }
0x40: {  	s19 =	sand.u32 $0x70, s13;
	s30 =	smul.u32 $0x2AAAAAAB, s30;
	s9 =	spop (v2sf)  }
0x41: {  	s5 =	smulhi.u32 $0x2AAAAAAB, s0;
	s0 =	sshra.s32 s0, $0x1F;
	s14 =	spop (v2sf)  }
0x42: {  	s22 =	sadd.s32 s26, s25;
	s0 =	smul.u32 $0x2AAAAAAB, s0;
	s4 =	spop (v2sf)  }
0x43: {  	s11 =	smulhi.u32 $0x2AAAAAAB, s18;
	s12 =	sshra.s32 s18, $0x1F;
	s6 =	spop (v2sf);
	(v2sf) =	vpush v3, $0x7  }
0x44: {  	s20 =	sadd.s32 s23, s28;
	s23 =	sadd.s32 s1, s31;
	s12 =	smul.u32 $0x2AAAAAAB, s12  }
0x45: {  	s18 =	sshrl.u32 s24, $0x1F;
	s13 =	smulhi.u32 $0x2AAAAAAB, s9;
	s9 =	sshra.s32 s9, $0x1F  }
0x46: {  	s28 =	sadd.s32 s29, s8;
	s25 =	sadd.s32 s30, s3;
	s9 =	smul.u32 $0x2AAAAAAB, s9  }
0x47: {  	v4 =	vmov s18;
	s18 =	sshrl.u32 s20, $0x2;
	s16 =	smulhi.u32 $0x2AAAAAAB, s14;
	s14 =	sshra.s32 s14, $0x1F  }
0x48: {  	s26 =	sadd.s32 s0, s5;
	s5 =	sshrl.u32 s20, $0x1F;
	s1 =	smul.u32 $0x2AAAAAAB, s14  }
0x49: {  	s20 =	sshrl.u32 s23, $0x2;
	s8 =	smulhi.u32 $0x2AAAAAAB, s4;
	s4 =	sshra.s32 s4, $0x1F  }
0x4a: {  	s14 =	sshrl.u32 s22, $0x1F;
	s29 =	smul.u32 $0x2AAAAAAB, s4;
	s9 =	sadd.s32 s9, s13  }
0x4b: {  	s1 =	sadd.s32 s1, s16;
	s30 =	smulhi.u32 $0x2AAAAAAB, s6;
	s31 =	sshra.s32 s6, $0x1F  }
0x4c: {  	s3 =	sadd.s32 s29, s8;
	s7 =	spop (v2sf);
	s4 =	smul.u32 $0x2AAAAAAB, s31  }
0x4d: {  	s6 =	sadd.s32 s12, s11;
	s11 =	smulhi.u32 $0x2AAAAAAB, s7;
	s7 =	sshra.s32 s7, $0x1F  }
0x4e: {  	s12 =	sshrl.u32 s23, $0x1F;
	s10 =	spop (v2sf);
	s7 =	smul.u32 $0x2AAAAAAB, s7  }
0x4f: {  	s16 =	sshrl.u32 s6, $0x1F;
	s8 =	smulhi.u32 $0x2AAAAAAB, s10;
	s10 =	sshra.s32 s10, $0x1F  }
0x50: {  	s31 =	sshrl.u32 s9, $0x1F;
	s6 =	sshrl.u32 s6, $0x2;
	v2 =	vmov s16;
	s10 =	smul.u32 $0x2AAAAAAB, s10  }
0x51: {  	s0 =	sadd.s32 s4, s30;
	s4 =	sshrl.u32 s28, $0x1F;
	v2 =	vnsel vm3, $0x0, v2;
	s30 =	sshrl.u32 s25, $0x1F  }
0x52: {  	v4 =	vsel vm0, s15, v4;
	v5 =	vmov s4;
	v2 =	vsel vm0, s31, v2;
	s4 =	sadd.s32 s7, s11;
	s11 =	sshrl.u32 s1, $0x1F;
	s29 =	spop (v2sf)  }
0x53: {  	v4 =	vsel vm1, s14, v4;
	v5 =	vsel vm0, s12, v5;
	v2 =	vsel vm1, s11, v2;
	s13 =	smulhi.u32 $0x2AAAAAAB, s29;
	s16 =	sshra.s32 s29, $0x1F;
	s29 =	sshrl.u32 s3, $0x1F  }
0x54: {  	v4 =	vsel vm2, s5, v4;
	s31 =	sshrl.u32 s0, $0x1F;
	v5 =	vsel vm1, s30, v5;
	s15 =	smul.u32 $0x2AAAAAAB, s16;
	s16 =	sshrl.u32 s26, $0x1F;
	v2 =	vsel vm2, s29, v2  }
0x55: {  	s14 =	sshrl.u32 s24, $0x2;
	v6 =	vmov s6;
	s8 =	sadd.s32 s10, s8;
	s10 =	sshrl.u32 s4, $0x1F;
	v5 =	vsel vm2, s16, v5;
	v2 =	vsel vm4, s31, v2  }
0x56: {  	s9 =	sshrl.u32 s9, $0x2;
	s1 =	sshrl.u32 s1, $0x2;
	s11 =	sshrl.u32 s8, $0x1F;
	v2 =	vsel vm5, s10, v2;
	v4 =	vcombine.low v5, v4;
	v5 =	vnsel vm3, $0x0, v6  }
0x57: {  	s16 =	sshrl.u32 s28, $0x2;
	s30 =	sadd.s32 s15, s13;
	s13 =	sshrl.u32 s21, $0x2;
	v6 =	vsel vm6, s11, v2;
	v2 =	vmov s14;
	v5 =	vsel vm0, s9, v5  }
0x58: {  	s23 =	sshrl.u32 s26, $0x2;
	s0 =	sshrl.u32 s0, $0x2;
	s21 =	sshrl.u32 s3, $0x2;
	v7 =	vsel vm0, s13, v2;
	v2 =	vmov s16;
	v5 =	vsel vm1, s1, v5  }
0x59: {  	s24 =	sshrl.u32 s4, $0x2;
	s15 =	sshrl.u32 s22, $0x2;
	s22 =	sshrl.u32 s25, $0x2;
	v8 =	vsel vm0, s20, v2;
	v5 =	vsel vm2, s21, v5;
	v2 =	vmov s19  }
0x5a: {  	s26 =	simm.s32 $0x0;
	s28 =	sshrl.u32 s8, $0x2;
	s25 =	sshll.u32 s17, $0x7;
	v7 =	vsel vm1, s15, v7;
	v8 =	vsel vm1, s22, v8;
	v5 =	vsel vm4, s0, v5  }
0x5b: {  	s29 =	sand.u32 $0xF000, s26;
	s12 =	sshrl.u32 s30, $0x1F;
	s21 =	sand.u32 $0xC00, s25;
	v7 =	vsel vm2, s18, v7;
	v8 =	vsel vm2, s23, v8;
	v5 =	vsel vm5, s24, v5  }
0x5c: {  	s3 =	sand.u32 $0x300, s26;
	s30 =	sshrl.u32 s30, $0x2;
	v6 =	vsel vm7, s12, v6;
	s1 =	sor.u32 s21, s29;
	v7 =	vcombine.low v8, v7;
	v5 =	vsel vm6, s28, v5  }
0x5d: {  	s5 =	simm.s32 $0x600;
	v4 =	vperm.xlane v4, v0;
	v6 =	vperm.xlane v6, v1;
	s31 =	sadd.s32 s3, s1;
	v5 =	vsel vm7, s30, v5  }
0x5e: {  	s6 =	sand.u32 $0x1F000, s5;
	s7 =	simm.s32 $0x180;
	v7 =	vperm.xlane v7, v0;
	v5 =	vperm.xlane v5, v1;
	v8 =	vld.idx.msk [tilespmem:v2+s31+$0x63E0 ss:$0x1], $0xffff  }
0x5f: {  	s4 =	simm.s32 $0x100;
	s8 =	simm.s32 $0x800;
	s3 =	simm.s32 $0x400  }
0x60: {  	s10 =	sand.u32 $0x1F000, s8;
	s19 =	sor.u32 $0x63E0, s21;
	v4 =	vsel vm8, v6, v4;
	s0 =	sand.u32 $0x1F000, s3;
	v5 =	vsel vm8, v5, v7  }
0x61: {  	s11 =	simm.s32 $0x200;
	s1 =	sand.u32 $0x300, s4;
	s0 =	sadd.s32 s0, s19;
	v6 =	vld.idx.msk [tilespmem:v2+s31+$0x6460 ss:$0x1], $0xffff;
	v4 =	vadd.s32 v4, v5  }
0x62: {  	s14 =	simm.s32 $0x280;
	s12 =	simm.s32 $0xA00;
	s0 =	sadd.s32 s1, s0;
	v4 =	vmul.u32 $0x18, v4  }
0x63: {  	s13 =	sand.u32 $0x1F000, s12;
	s3 =	sand.u32 $0x380, s7;
	s1 =	sadd.s32 s6, s19;
	v5 =	vld.idx.msk [tilespmem:v2+s0+$0x0 ss:$0x1], $0xffff;
	v7 =	vmul.u32 $0x18, v8  }
0x64: {  	s15 =	simm.s32 $0xC00;
	s20 =	simm.s32 $0x300;
	s9 =	sadd.s32 s3, s1;
	v3 =	vsub.s32 v3, v4  }
0x65: {  	s18 =	sand.u32 $0x1F000, s15;
	s3 =	sand.u32 $0x300, s11;
	s1 =	sadd.s32 s10, s19;
	v4 =	vadd.s32 v3, v7;
	v7 =	vld.idx.msk [tilespmem:v2+s9+$0x0 ss:$0x1], $0xffff  }
0x66: {  	s22 =	sand.u32 $0x300, s20;
	s24 =	simm.s32 $0xE00;
	s1 =	sadd.s32 s3, s1;
	v6 =	vmul.u32 $0x18, v6  }
0x67: {  	s4 =	sand.u32 $0x380, s14;
	s26 =	sand.u32 $0x1F000, s24;
	s3 =	sadd.s32 s13, s19;
	v9 =	vld.idx.msk [tilespmem:v2+s1+$0x0 ss:$0x1], $0xffff  }
0x68: {  	s28 =	simm.s32 $0x380;
	s16 =	sadd.s32 s4, s3;
	s3 =	sadd.s32 s18, s19;
	v10 =	vadd.s32 v3, v6;
	v5 =	vmul.u32 $0x18, v5  }
0x69: {  	s29 =	sand.u32 $0x380, s28;
	s1 =	sadd.s32 s26, s19;
	v13 =	vld.idx.msk [tilespmem:v2+s16+$0x0 ss:$0x1], $0xffff;
	s25 =	sadd.s32 s22, s3  }
0x6a: {  	s0 =	sadd.s32 s29, s1;
	v6 =	vld.idx.msk [tilespmem:v2+s25+$0x0 ss:$0x1], $0xffff;
	v14 =	vadd.s32 v3, v5;
	v11 =	vmul.u32 $0x18, v7  }
0x6b: {  	v5 =	vld.idx.msk [tilespmem:v2+s0+$0x0 ss:$0x1], $0xffff  }
0x6c: {  	s30 =	simm.s32 $0x1200;
	v9 =	vmul.u32 $0x18, v9;
	v8 =	vld.idx.msk [tilespmem:v4+s2+$0x0], $0xffff;
	v11 =	vadd.s32 v3, v11  }
0x6d: {  	s20 =	simm.s32 $0x1400;
	s22 =	simm.s32 $0x480;
	s0 =	sand.u32 $0x1F000, s30;
	v7 =	vld.idx.msk [tilespmem:v10+s2+$0x0], $0xffff  }
0x6e: {  	s23 =	simm.s32 $0x100;
	v13 =	vmul.u32 $0x18, v13;
	s0 =	sadd.s32 s0, s19;
	v4 =	vld.idx.msk [tilespmem:v2+s31+$0x73E0 ss:$0x1], $0xffff;
	s31 =	sand.u32 $0x380, s22;
	v10 =	vadd.s32 v3, v9  }
0x6f: {  	v12 =	vimm.f32 $0.0e+00;
	s24 =	simm.s32 $0x2800;
	s25 =	sand.u32 $0xF000, s20;
	s26 =	sadd.s32 s31, s0;
	v9 =	vld.idx.msk [tilespmem:v14+s2+$0x0], $0xffff  }
.LBB2_3:
0x70: {  	p1 =	sne.s32 s24, $0x5000;
	s0 =	sand.u32 $0x300, s23;
	s1 =	sor.u32 s21, s25;
	v13 =	vadd.s32 v3, v13;
	v6 =	vmul.u32 $0x18, v6;
	v14 =	vld.idx.msk [tilespmem:v2+s26+$0x0 ss:$0x1], $0xffff  }
0x71: {  	s25 =	sadd.s32 s0, s1;
	v8 =	vadd.f32 v8, v12;
	v11 =	vld.idx.msk [tilespmem:v11+s2+$0x0], $0xffff  }
0x72: {  	s22 =	sadd.s32 $0x500, s22;
	s0 =	sadd.s32 $0x400, s20;
	v5 =	vmul.u32 $0x18, v5;
	v12 =	vld.idx.msk [tilespmem:v2+s25+$0x63E0 ss:$0x1], $0xffff;
	v6 =	vadd.s32 v3, v6  }
0x73: {  	s1 =	sadd.s32 $0xFFFFFC80, s22;
	s0 =	sand.u32 $0x1F000, s0;
	v7 =	vadd.f32 v7, v8;
	v8 =	vld.idx.msk [tilespmem:v10+s2+$0x0], $0xffff  }
0x74: {  	s3 =	sadd.s32 $0x600, s20;
	s1 =	sand.u32 $0x300, s1;
	s0 =	sadd.s32 s0, s19;
	v5 =	vadd.s32 v3, v5;
	v4 =	vmul.u32 $0x18, v4;
	v10 =	vld.idx.msk [tilespmem:v2+s25+$0x6460 ss:$0x1], $0xffff  }
0x75: {  	s0 =	sadd.s32 s1, s0;
	s1 =	sand.u32 $0x1F000, s3;
	s3 =	sadd.s32 $0xFFFFFD00, s22;
	v7 =	vadd.f32 v9, v7;
	v9 =	vld.idx.msk [tilespmem:v13+s2+$0x0], $0xffff  }
0x76: {  	s1 =	sadd.s32 s1, s19;
	v4 =	vadd.s32 v3, v4;
	v14 =	vmul.u32 $0x18, v14;
	v13 =	vld.idx.msk [tilespmem:v2+s0+$0x0 ss:$0x1], $0xffff;
	s0 =	sand.u32 $0x380, s3;
	s3 =	sadd.s32 $0x800, s20  }
0x77: {  	s0 =	sadd.s32 s0, s1;
	s1 =	sand.u32 $0x1F000, s3;
	s3 =	sadd.s32 $0xFFFFFD80, s22;
	v7 =	vadd.f32 v11, v7;
	v6 =	vld.idx.msk [tilespmem:v6+s2+$0x0], $0xffff  }
0x78: {  	v11 =	vmul.u32 $0x18, v12;
	v14 =	vadd.s32 v3, v14;
	v12 =	vld.idx.msk [tilespmem:v2+s0+$0x0 ss:$0x1], $0xffff;
	s0 =	sand.u32 $0x300, s3;
	s1 =	sadd.s32 s1, s19;
	s3 =	sadd.s32 $0xA00, s20  }
0x79: {  	s0 =	sadd.s32 s0, s1;
	s1 =	sand.u32 $0x1F000, s3;
	s3 =	sadd.s32 $0xFFFFFE00, s22;
	v7 =	vadd.f32 v8, v7;
	v5 =	vld.idx.msk [tilespmem:v5+s2+$0x0], $0xffff  }
0x7a: {  	v8 =	vadd.s32 v3, v11;
	v10 =	vmul.u32 $0x18, v10;
	v15 =	vld.idx.msk [tilespmem:v2+s0+$0x0 ss:$0x1], $0xffff;
	s0 =	sand.u32 $0x380, s3;
	s1 =	sadd.s32 s1, s19;
	s3 =	sadd.s32 $0xC00, s20  }
0x7b: {  	s0 =	sadd.s32 s0, s1;
	s1 =	sand.u32 $0x1F000, s3;
	s3 =	sadd.s32 $0xFFFFFE80, s22;
	v7 =	vadd.f32 v9, v7;
	v4 =	vld.idx.msk [tilespmem:v4+s2+$0x0], $0xffff  }
0x7c: {  	v9 =	vadd.s32 v3, v10;
	v10 =	vmul.u32 $0x18, v13;
	v13 =	vld.idx.msk [tilespmem:v2+s0+$0x0 ss:$0x1], $0xffff;
	s0 =	sand.u32 $0x300, s3;
	s1 =	sadd.s32 s1, s19;
	s3 =	sadd.s32 $0xE00, s20  }
0x7d: {  	s0 =	sadd.s32 s0, s1;
	s1 =	sand.u32 $0x1F000, s3;
	s3 =	sadd.s32 $0xFFFFFF00, s22;
	v7 =	vadd.f32 v6, v7;
	v14 =	vld.idx.msk [tilespmem:v14+s2+$0x0], $0xffff  }
0x7e: {  	v16 =	vadd.s32 v3, v10;
	v10 =	vmul.u32 $0x18, v12;
	v6 =	vld.idx.msk [tilespmem:v2+s0+$0x0 ss:$0x1], $0xffff;
	s0 =	sand.u32 $0x380, s3;
	s1 =	sadd.s32 s1, s19  }
.Ltmp0:
0x7f: {  	v8 =	vld.idx.msk [tilespmem:v8+s2+$0x0], $0xffff;
	s0 =	sadd.s32 s0, s1;
	v12 =	vadd.f32 v5, v7;
	(pc) =	sbr.rel @p1 .LBB2_3-.Ltmp0, $4  }
0x80: {  	v11 =	vadd.s32 v3, v10;
	v10 =	vmul.u32 $0x18, v15;
	v5 =	vld.idx.msk [tilespmem:v2+s0+$0x0 ss:$0x1], $0xffff;
	s0 =	sadd.s32 $0x1200, s20;
	s20 =	smov.u32 s24  }
0x81: {  	v7 =	vld.idx.msk [tilespmem:v9+s2+$0x0], $0xffff;
	s0 =	sand.u32 $0x1F000, s0;
	v12 =	vadd.f32 v4, v12  }
0x82: {  	s23 =	sadd.s32 $0x100, s23;
	s1 =	sand.u32 $0x380, s22;
	v10 =	vadd.s32 v3, v10;
	v13 =	vmul.u32 $0x18, v13;
	v4 =	vld.idx.msk [tilespmem:v2+s25+$0x73E0 ss:$0x1], $0xffff;
	s0 =	sadd.s32 s0, s19  }
0x83: {  	s24 =	sadd.s32 $0x1400, s24;
	s25 =	sand.u32 $0xF000, s20;
	v9 =	vld.idx.msk [tilespmem:v16+s2+$0x0], $0xffff;
	s26 =	sadd.s32 s1, s0;
	v12 =	vadd.f32 v14, v12  }
0x84: {  	_ =	sdelay $0x3  }
0x85: {  	v13 =	vadd.s32 v3, v13;
	v6 =	vmul.u32 $0x18, v6;
	v14 =	vld.idx.msk [tilespmem:v2+s26+$0x0 ss:$0x1], $0xffff;
	v8 =	vadd.f32 v8, v12  }
0x86: {  	s0 =	sand.u32 $0x300, s23;
	s1 =	sor.u32 s21, s25;
	v11 =	vld.idx.msk [tilespmem:v11+s2+$0x0], $0xffff  }
0x87: {  	s22 =	sadd.s32 $0x500, s22;
	v30 =	vld.idx.msk [tilespmem:v10+s2+$0x0], $0xffff;
	s21 =	sadd.s32 s0, s1;
	s1 =	sadd.s32 $0x400, s20;
	v5 =	vmul.u32 $0x18, v5;
	v6 =	vadd.s32 v3, v6;
	v7 =	vadd.f32 v7, v8  }
0x88: {  	s3 =	sadd.s32 $0xFFFFFC80, s22;
	v29 =	vld.idx.msk [tilespmem:v2+s21+$0x63E0 ss:$0x1], $0xffff;
	s0 =	sand.u32 $0x1F000, s1  }
0x89: {  	v31 =	vld.idx.msk [tilespmem:v2+s21+$0x6460 ss:$0x1], $0xffff;
	s1 =	sand.u32 $0x300, s3;
	s3 =	sadd.s32 $0x600, s20;
	s0 =	sadd.s32 s0, s19;
	v5 =	vadd.s32 v3, v5;
	v4 =	vmul.u32 $0x18, v4;
	v7 =	vadd.f32 v9, v7  }
0x8a: {  	s5 =	sadd.s32 $0xFFFFFD00, s22;
	s4 =	sand.u32 $0x1F000, s3;
	s0 =	sadd.s32 s1, s0;
	v32 =	vld.idx.msk [tilespmem:v13+s2+$0x0], $0xffff  }
0x8b: {  	s7 =	sadd.s32 $0x800, s20;
	s6 =	sand.u32 $0x380, s5;
	s1 =	sadd.s32 s4, s19;
	v33 =	vld.idx.msk [tilespmem:v2+s0+$0x0 ss:$0x1], $0xffff;
	v4 =	vadd.s32 v3, v4;
	v14 =	vmul.u32 $0x18, v14;
	v7 =	vadd.f32 v11, v7  }
0x8c: {  	s8 =	sand.u32 $0x1F000, s7;
	s9 =	sadd.s32 $0xFFFFFD80, s22;
	s0 =	sadd.s32 s6, s1;
	v6 =	vld.idx.msk [tilespmem:v6+s2+$0x0], $0xffff  }
0x8d: {  	s11 =	sadd.s32 $0xA00, s20;
	s10 =	sand.u32 $0x300, s9;
	s1 =	sadd.s32 s8, s19;
	v35 =	vld.idx.msk [tilespmem:v2+s0+$0x0 ss:$0x1], $0xffff;
	v34 =	vmul.u32 $0x18, v29;
	v14 =	vadd.s32 v3, v14;
	v7 =	vadd.f32 v30, v7  }
0x8e: {  	s12 =	sand.u32 $0x1F000, s11;
	s13 =	sadd.s32 $0xFFFFFE00, s22;
	s0 =	sadd.s32 s10, s1;
	v5 =	vld.idx.msk [tilespmem:v5+s2+$0x0], $0xffff  }
0x8f: {  	s15 =	sadd.s32 $0xC00, s20;
	s14 =	sand.u32 $0x380, s13;
	s1 =	sadd.s32 s12, s19;
	v10 =	vmul.u32 $0x18, v31;
	v37 =	vld.idx.msk [tilespmem:v2+s0+$0x0 ss:$0x1], $0xffff;
	v36 =	vadd.s32 v3, v34;
	v7 =	vadd.f32 v32, v7  }
0x90: {  	s16 =	sand.u32 $0x1F000, s15;
	s18 =	sadd.s32 $0xFFFFFE80, s22;
	s0 =	sadd.s32 s14, s1;
	v4 =	vld.idx.msk [tilespmem:v4+s2+$0x0], $0xffff  }
0x91: {  	s24 =	sadd.s32 $0xE00, s20;
	s23 =	sand.u32 $0x300, s18;
	s1 =	sadd.s32 s16, s19;
	v40 =	vld.idx.msk [tilespmem:v2+s0+$0x0 ss:$0x1], $0xffff;
	v38 =	vadd.s32 v3, v10;
	v39 =	vmul.u32 $0x18, v33;
	v6 =	vadd.f32 v6, v7  }
0x92: {  	s25 =	sand.u32 $0x1F000, s24;
	s26 =	sadd.s32 $0xFFFFFF00, s22;
	s0 =	sadd.s32 s23, s1;
	v41 =	vld.idx.msk [tilespmem:v14+s2+$0x0], $0xffff  }
0x93: {  	s28 =	sand.u32 $0x380, s26;
	s1 =	sadd.s32 s25, s19;
	v42 =	vld.idx.msk [tilespmem:v2+s0+$0x0 ss:$0x1], $0xffff;
	v12 =	vmul.u32 $0x18, v35;
	v10 =	vadd.s32 v3, v39;
	v5 =	vadd.f32 v5, v6  }
0x94: {  	s0 =	sadd.s32 s28, s1;
	v43 =	vld.idx.msk [tilespmem:v36+s2+$0x0], $0xffff  }
0x95: {  	s29 =	sadd.s32 $0x1200, s20;
	v45 =	vld.idx.msk [tilespmem:v2+s0+$0x0 ss:$0x1], $0xffff;
	v11 =	vmul.u32 $0x18, v37;
	v44 =	vadd.s32 v3, v12;
	v4 =	vadd.f32 v4, v5  }
0x96: {  	s0 =	sand.u32 $0x1F000, s29;
	v46 =	vld.idx.msk [tilespmem:v38+s2+$0x0], $0xffff  }
0x97: {  	s30 =	sand.u32 $0x380, s22;
	v49 =	vld.idx.msk [tilespmem:v2+s21+$0x73E0 ss:$0x1], $0xffff;
	s0 =	sadd.s32 s0, s19;
	v48 =	vmul.u32 $0x18, v40;
	v47 =	vadd.s32 v3, v11;
	v4 =	vadd.f32 v41, v4  }
0x98: {  	s0 =	sadd.s32 s30, s0;
	v50 =	vld.idx.msk [tilespmem:v10+s2+$0x0], $0xffff  }
0x99: {  	v2 =	vld.idx.msk [tilespmem:v2+s0+$0x0 ss:$0x1], $0xffff;
	v52 =	vmul.u32 $0x18, v42;
	v51 =	vadd.s32 v3, v48;
	v4 =	vadd.f32 v43, v4  }
0x9a: {  	v53 =	vld.idx.msk [tilespmem:v44+s2+$0x0], $0xffff  }
0x9b: {  	v55 =	vmul.u32 $0x18, v45;
	v54 =	vadd.s32 v3, v52;
	v4 =	vadd.f32 v46, v4  }
0x9c: {  	v56 =	vld.idx.msk [tilespmem:v47+s2+$0x0], $0xffff  }
0x9d: {  	v58 =	vmul.u32 $0x18, v49;
	v57 =	vadd.s32 v3, v55;
	v4 =	vadd.f32 v50, v4  }
0x9e: {  	v59 =	vld.idx.msk [tilespmem:v51+s2+$0x0], $0xffff  }
0x9f: {  	v60 =	vadd.s32 v3, v58;
	v2 =	vmul.u32 $0x18, v2;
	v4 =	vadd.f32 v53, v4  }
0xa0: {  	v61 =	vld.idx.msk [tilespmem:v54+s2+$0x0], $0xffff  }
0xa1: {  	v2 =	vadd.s32 v3, v2;
	v3 =	vadd.f32 v56, v4  }
0xa2: {  	v62 =	vld.idx.msk [tilespmem:v57+s2+$0x0], $0xffff  }
0xa3: {  	v3 =	vadd.f32 v59, v3  }
0xa4: {  	v63 =	vld.idx.msk [tilespmem:v60+s2+$0x0], $0xffff  }
0xa5: {  	v3 =	vadd.f32 v61, v3  }
0xa6: {  	v2 =	vld.idx.msk [tilespmem:v2+s2+$0x0], $0xffff  }
0xa7: {  	v3 =	vadd.f32 v62, v3;
	_ =	sdelay $0x1  }
0xa8: {  	v3 =	vadd.f32 v63, v3  }
0xa9: {  	s17 =	sadd.s32 $0x1, s17  }
0xaa: {  	p1 =	sne.s32 s17, $0x20;
	v2 =	vadd.f32 v2, v3  }
.Ltmp1:
0xab: {  	_ = 	snop;
	(pc) =	sbr.rel @p1 .LBB2_2-.Ltmp1, $3  }
0xac: {  	v2 =	vmul.f32 $1.999999960e-02, v2;
	_ =	sdelay $0x1  }
0xad: {  	s31 =	rddreg [dreg:$0xc];
	v2 =	vmax.f32 v2, $0.0e+00  }
0xae: {  	[tilespmem:s31+$0xD5E0] =	vst v2  }
0xaf: {  	s0 =	rddreg [dreg:$0x8];
	s1 =	simm.s32 $0xD5E0;
	s30 =	simm.s32 $0x4  }
0xb0: {  	[hbm4b:s0+s2] =	stream.linear.scatter [tilespmem:s1], [sflag:$0x4], $0x200, $0x38;
	[tilespmem:$0xD7E0] =	vst v63  }
0xb1: {  	_ =	swait.ge [sflag:s30], $0x200  }
0xb2: {  	s3 =	rddreg [dreg:$0xb]  }
0xb3: {  	s31 =	rddreg [dreg:$0x9];
	s3 =	sadd.s32 $0x1, s3  }
0xb4: {  	p1 =	sne.s32 s3, s31  }
.Ltmp2:
0xb5: {  	_ = 	snop;
	(pc) =	sbr.rel @p1 .LBB2_1-.Ltmp2, $3  }
0xb6: {  	_ =	sdelay $0x1  }
0xb7: {  	[sflag:s30] =	ssyncset.done $0x0  }
0xb8: {  	[sflag:s30] =	ssyncadd.s32 $0xFFFFFE00  }
0xb9: {  	_ =	sfence.sel $0x180000  }
0xba: {  	[bflag:$0x0] =	sbarrier.arrive $0xFFFF  }
0xbb: {  	_ =	strace $0x90000047  }
0xbc: {  	[bflag:$0x2] =	sbarrier.arrive $0xFFFF  }
0xbd: {  	s0 =	rddreg [dreg:$0x4]  }
0xbe: {  	s0 =	sadd.s32 @!p0 $0x100000, s0  }
0xbf: {  	[sflag:s0] =	ssyncadd.tile.s32 @!p0 $0x1;
	_ =	shalt  }
.Lfunc_end2:
_tile_overlayer_lowered:
.L_overlay_start_2:
0xc0: {  	(tag) =	ssettag $0x2  }
0xc1: {  	s0 =	rddreg [dreg:$0x0];
	s2 =	stileid.u32  }
0xc2: {  	s1 =	rddreg [dreg:$0x1];
	p0 =	sne.s32 s2, $0x0  }
0xc3: {  	s3 =	rddreg [dreg:$0x2];
	[bflag:$0x3] =	sbarrier.arrive $0xFFFF;
	s2 =	simm.s32 @!p0 $0x1C04  }
0xc4: {  	[timem:s3], [sflag:s2] =	dma.local @!p0 [hbm:s0], s1  }
0xc5: {  	s0 =	simm.s32 @!p0 $0x4  }
0xc6: {  	_ =	swait.ge @!p0 [sflag:s0], s1  }
0xc7: {  	s1 =	ssub.s32 @!p0 $0x0, s1;
	[sflag:s0] =	ssyncset.done @!p0 $0x0  }
0xc8: {  	[sflag:s0] =	ssyncadd.s32 @!p0 s1  }
0xc9: {  	[bflag:$0x3] =	sbarrier.arrive $0xFFFF  }
0xca: {  	_ =	shalt  }

</sc_bundles>
